<compile_context>
chip_gen: v7x
topology: tpu7x:2x2x1
jax: 0.10.2.dev20260603
libtpu: 0.0.44.dev20260713+nightly
codegen_flags: <defaults>
</compile_context>

<pallas_src>
import functools

import numpy as np
import jax
import jax.numpy as jnp
from jax import lax
from jax.experimental import pallas as pl
from jax.experimental.pallas import tpu as pltpu
from jax.experimental.pallas import tpu_sc as plsc

B, S, L = 64, 400, 16
VW, DW = 100000, 128
VC, DC = 96, 64
NF = 128
KW = 5
D = DW + NF
N = B * S
NW = 32
RPW = N // NW
TT = 1600
BB = TT // S
NPOS = L - KW + 1


def _word_gather(idx_flat, table):
    mesh = plsc.VectorSubcoreMesh(core_axis_name="c", subcore_axis_name="s")

    half = RPW // 2

    @functools.partial(
        pl.kernel,
        out_type=jax.ShapeDtypeStruct((N, DW), jnp.float32),
        mesh=mesh,
        scratch_types=[
            pltpu.VMEM((RPW,), jnp.int32),
            pltpu.VMEM((half, DW), jnp.float32),
            pltpu.VMEM((half, DW), jnp.float32),
            pltpu.SemaphoreType.DMA,
            pltpu.SemaphoreType.DMA,
            pltpu.SemaphoreType.DMA,
            pltpu.SemaphoreType.DMA,
        ],
    )
    def gk(idx_hbm, table_hbm, out_hbm, idx_v, ra, rb, sga, sgb, ssa, ssb):
        wid = lax.axis_index("s") * 2 + lax.axis_index("c")
        base = wid * RPW
        pltpu.sync_copy(idx_hbm.at[pl.ds(base, RPW)], idx_v)
        ga = pltpu.async_copy(table_hbm.at[idx_v.at[pl.ds(0, half)]], ra, sga)
        gb = pltpu.async_copy(table_hbm.at[idx_v.at[pl.ds(half, half)]], rb, sgb)
        ga.wait()
        sa = pltpu.async_copy(ra, out_hbm.at[pl.ds(base, half)], ssa)
        gb.wait()
        sb = pltpu.async_copy(rb, out_hbm.at[pl.ds(base + half, half)], ssb)
        sa.wait()
        sb.wait()

    return gk(idx_flat, table)


def _dot_t(x, w):
    return lax.dot_general(x, w, (((1,), (1,)), ((), ())),
                           preferred_element_type=jnp.float32)


def _tc_body(chars_ref, words_ref, ctab_ref, wcat_ref, bconv_ref,
             exp_ref, cmod_ref,
             wg0_ref, bg0_ref, wt0_ref, bt0_ref,
             wg1_ref, bg1_ref, wt1_ref, bt1_ref,
             out_ref, m_ref):
    @pl.when(pl.program_id(0) == 0)
    def _():
        m_ref[...] = jnp.zeros(((KW + 1) * NF, 2 * NF), jnp.bfloat16)
        mt = jnp.dot(ctab_ref[...], wcat_ref[...],
                     preferred_element_type=jnp.float32)
        for k in range(KW):
            blk = mt[:, k * NF:(k + 1) * NF].astype(jnp.bfloat16)
            m_ref[pl.ds(k * NF, VC), 0:NF] = blk
            m_ref[pl.ds((k + 1) * NF, VC), NF:2 * NF] = blk

    chars_bf = chars_ref[...].reshape(TT, L).astype(jnp.bfloat16)
    chars_rep = jnp.dot(chars_bf, exp_ref[...],
                        preferred_element_type=jnp.float32
                        ).astype(jnp.bfloat16)
    oh2 = jnp.where(chars_rep == cmod_ref[...],
                    jnp.bfloat16(1), jnp.bfloat16(0))
    m = m_ref[...]

    acc = None
    for p in range(NPOS // 2):
        pr = lax.dot_general(oh2[:, 2 * p * NF:(2 * p + KW + 1) * NF], m,
                             (((1,), (0,)), ((), ())),
                             preferred_element_type=jnp.float32)
        acc = pr if acc is None else jnp.maximum(acc, pr)
    acc = jnp.maximum(acc[:, :NF], acc[:, NF:])
    ce = jnp.maximum(acc + bconv_ref[...][None, :], 0.0)

    x = jnp.concatenate([words_ref[...], ce], axis=1)
    for wg, bg, wt, bt in ((wg0_ref, bg0_ref, wt0_ref, bt0_ref),
                           (wg1_ref, bg1_ref, wt1_ref, bt1_ref)):
        g = jax.nn.sigmoid(_dot_t(x, wg[...]) + bg[...][None, :])
        t = jnp.maximum(_dot_t(x, wt[...]) + bt[...][None, :], 0.0)
        x = g * t + (1.0 - g) * x
    out_ref[...] = x


def _tc_fused(chars2, word_rows, ctab, wcat, bconv, expander, cmod,
              wg0, bg0, wt0, bt0, wg1, bg1, wt1, bt1):
    const = lambda i: (0, 0)
    row = lambda i: (i, 0)
    return pl.pallas_call(
        _tc_body,
        grid=(N // TT,),
        in_specs=[
            pl.BlockSpec((BB, S, L), lambda i: (i, 0, 0)),
            pl.BlockSpec((TT, DW), row),
            pl.BlockSpec((VC, DC), const),
            pl.BlockSpec((DC, KW * NF), const),
            pl.BlockSpec((NF,), lambda i: (0,)),
            pl.BlockSpec((L, L * NF), const),
            pl.BlockSpec((1, L * NF), const),
            pl.BlockSpec((D, D), const),
            pl.BlockSpec((D,), lambda i: (0,)),
            pl.BlockSpec((D, D), const),
            pl.BlockSpec((D,), lambda i: (0,)),
            pl.BlockSpec((D, D), const),
            pl.BlockSpec((D,), lambda i: (0,)),
            pl.BlockSpec((D, D), const),
            pl.BlockSpec((D,), lambda i: (0,)),
        ],
        out_specs=pl.BlockSpec((TT, D), row),
        out_shape=jax.ShapeDtypeStruct((N, D), jnp.float32),
        scratch_shapes=[pltpu.VMEM(((KW + 1) * NF, 2 * NF), jnp.bfloat16)],
    )(chars2, word_rows, ctab, wcat, bconv, expander, cmod,
      wg0, bg0, wt0, bt0, wg1, bg1, wt1, bt1)


def kernel(word_idxs, char_idxs, word_table, char_table, W_conv, b_conv,
           Wt0, bt0, Wg0, bg0, Wt1, bt1, Wg1, bg1):
    word_rows = _word_gather(word_idxs.reshape(N), word_table)

    chars2 = char_idxs
    wcat = jnp.transpose(W_conv[:, :, 0, :], (1, 2, 0)).reshape(DC, KW * NF)
    cols = np.arange(L * NF)
    expander = jnp.asarray(
        (cols // NF == np.arange(L)[:, None]).astype(np.float32),
        dtype=jnp.bfloat16)
    cmod = jnp.asarray((cols % NF).astype(np.float32)[None, :],
                       dtype=jnp.bfloat16)
    emb = _tc_fused(
        chars2, word_rows, char_table, wcat, b_conv, expander, cmod,
        Wg0, bg0, Wt0, bt0, Wg1, bg1, Wt1, bt1,
    )
    return emb.reshape(B, S, D)

# --- scband reference (transcript-rebuilt; emitter-appended) ---
"""Pipeline reference for scband-qanet-embedding-36558761624062 (READ-ONLY COPY).

The authoritative reference and input builder live on the scoring server;
editing this copy changes nothing except your own understanding.
"""

import jax, jax.numpy as jnp
import numpy as np

B, S, L = 64, 400, 16
VW, DW = 100000, 128
VC, DC = 96, 64
NF = 128
KW = 5
D = DW + NF


def setup_inputs(seed: int = 0) -> dict:
    key = jax.random.key(seed)
    ks = jax.random.split(key, 16)
    word_idxs = jax.random.randint(ks[0], (B, S), 0, VW, dtype=jnp.int64 if jax.config.jax_enable_x64 else jnp.int32)
    char_idxs = jax.random.randint(ks[1], (B, S, L), 0, VC, dtype=jnp.int64 if jax.config.jax_enable_x64 else jnp.int32)
    word_table = jax.random.normal(ks[2], (VW, DW), dtype=jnp.float32) * 0.1
    char_table = jax.random.normal(ks[3], (VC, DC), dtype=jnp.float32) * 0.1
    W_conv = jax.random.normal(ks[4], (NF, DC, 1, KW), dtype=jnp.float32) * 0.05
    b_conv = jnp.zeros((NF,), dtype=jnp.float32)
    Wt0 = jax.random.normal(ks[5], (D, D), dtype=jnp.float32) * 0.02
    bt0 = jnp.zeros((D,), dtype=jnp.float32)
    Wg0 = jax.random.normal(ks[6], (D, D), dtype=jnp.float32) * 0.02
    bg0 = jnp.zeros((D,), dtype=jnp.float32)
    Wt1 = jax.random.normal(ks[7], (D, D), dtype=jnp.float32) * 0.02
    bt1 = jnp.zeros((D,), dtype=jnp.float32)
    Wg1 = jax.random.normal(ks[8], (D, D), dtype=jnp.float32) * 0.02
    bg1 = jnp.zeros((D,), dtype=jnp.float32)
    return {"word_idxs": word_idxs, "char_idxs": char_idxs, "word_table": word_table,
            "char_table": char_table, "W_conv": W_conv, "b_conv": b_conv,
            "Wt0": Wt0, "bt0": bt0, "Wg0": Wg0, "bg0": bg0,
            "Wt1": Wt1, "bt1": bt1, "Wg1": Wg1, "bg1": bg1}


def reference(word_idxs, char_idxs, word_table, char_table, W_conv, b_conv,
              Wt0, bt0, Wg0, bg0, Wt1, bt1, Wg1, bg1):
    # word embedding lookup (gather)
    word_emb = jnp.take(word_table, word_idxs, axis=0)          # (B, S, DW)
    # char embedding lookup (gather)
    char_e = jnp.take(char_table, char_idxs, axis=0)            # (B, S, L, DC)
    # dropout is identity in eval mode
    # _CharEmbedding: Conv2d(DC, NF, kernel=(1,5)) over (S, L), relu, max over char dim
    x = jnp.transpose(char_e, (0, 3, 1, 2))                     # (B, DC, S, L)
    conv = jax.lax.conv_general_dilated(
        x, W_conv, window_strides=(1, 1), padding='VALID',
        dimension_numbers=('NCHW', 'OIHW', 'NCHW'))             # (B, NF, S, L-4)
    conv = conv + b_conv.reshape(1, NF, 1, 1)
    conv = jax.nn.relu(conv)
    char_emb = jnp.max(conv, axis=3)                            # (B, NF, S)
    char_emb = jnp.transpose(char_emb, (0, 2, 1))               # (B, S, NF)
    # concat word + char
    emb = jnp.concatenate([word_emb, char_emb], axis=2)         # (B, S, D)
    # HighwayEncoder with 2 layers: x = g*relu(T(x)) + (1-g)*x, g = sigmoid(G(x))
    for Wt, bt, Wg, bg in ((Wt0, bt0, Wg0, bg0), (Wt1, bt1, Wg1, bg1)):
        g = jax.nn.sigmoid(jnp.einsum('bsd,ed->bse', emb, Wg) + bg)
        t = jax.nn.relu(jnp.einsum('bsd,ed->bse', emb, Wt) + bt)
        emb = g * t + (1.0 - g) * emb
    return emb

if __name__ == "__main__":
    import jax
    _d = setup_inputs()
    print(jax.jit(kernel)(*tuple(_d.values())))

</pallas_src>

<mosaic_0001>
#map = affine_map<(d0, d1) -> (0)>
#map1 = affine_map<(d0, d1) -> (0, 0)>
module attributes {stable_mosaic.version = 14 : i64} {
  func.func @gk(%arg0: i32, %arg1: i32, %arg2: memref<25600xi32, #tpu.memory_space<hbm>>, %arg3: memref<100000x128xf32, #tpu.memory_space<hbm>>, %arg4: memref<25600x128xf32, #tpu.memory_space<hbm>>, %arg5: memref<800xi32, #tpu.memory_space<vmem>>, %arg6: memref<400x128xf32, #tpu.memory_space<vmem>>, %arg7: memref<400x128xf32, #tpu.memory_space<vmem>>, %arg8: memref<!tpu.dma_semaphore, #tpu.memory_space<semaphore_mem>>, %arg9: memref<!tpu.dma_semaphore, #tpu.memory_space<semaphore_mem>>, %arg10: memref<!tpu.dma_semaphore, #tpu.memory_space<semaphore_mem>>, %arg11: memref<!tpu.dma_semaphore, #tpu.memory_space<semaphore_mem>>) attributes {dimension_semantics = [#tpu.dimension_semantics<core_parallel>, #tpu.dimension_semantics<subcore_parallel>], iteration_bounds = array<i64: 2, 16>, scalar_prefetch = 0 : i64, scratch_operands = 7 : i64, tpu.core_type = #tpu.core_type<sc_vector_subcore>, window_params = [{transform_indices = #map}, {transform_indices = #map1}, {transform_indices = #map1}]} {
    %mul3A = arith.constant 2 : i32
    %mul3A_0 = arith.muli %arg1, %mul3A : i32
    %add3A = arith.addi %mul3A_0, %arg0 : i32
    %mul3A_1 = arith.constant 800 : i32
    %mul3A_2 = arith.muli %add3A, %mul3A_1 : i32
    "tpu.region"() ({
      %run_scoped3A = tpu.sem_alloc : memref<!tpu.dma_semaphore, #tpu.memory_space<semaphore_mem>>
      %dma_start3A_39 = tpu.memref_slice %arg2[%mul3A_2] : memref<25600xi32, #tpu.memory_space<hbm>> -> memref<800xi32, #tpu.memory_space<hbm>>
      %dma_start3A_40 = tpu.memref_slice %arg2[%mul3A_2] : memref<25600xi32, #tpu.memory_space<hbm>> -> memref<800xi32, #tpu.memory_space<hbm>>
      tpu.enqueue_dma source(%dma_start3A_40 : memref<800xi32, #tpu.memory_space<hbm>>) target(%arg5 : memref<800xi32, #tpu.memory_space<vmem>>) target_semaphore(%run_scoped3A : memref<!tpu.dma_semaphore, #tpu.memory_space<semaphore_mem>>)
      %dma_wait3A_41 = tpu.memref_slice %arg2[%mul3A_2] : memref<25600xi32, #tpu.memory_space<hbm>> -> memref<800xi32, #tpu.memory_space<hbm>>
      %dma_wait3A_42 = tpu.memref_slice %arg2[%mul3A_2] : memref<25600xi32, #tpu.memory_space<hbm>> -> memref<800xi32, #tpu.memory_space<hbm>>
      tpu.wait_dma2 semaphore(%run_scoped3A : memref<!tpu.dma_semaphore, #tpu.memory_space<semaphore_mem>>) src(%dma_wait3A_42 : memref<800xi32, #tpu.memory_space<hbm>>) dst(%arg5 : memref<800xi32, #tpu.memory_space<vmem>>)
      tpu.yield
    }) : () -> ()
    %dma_start3A = arith.constant 0 : i32
    %dma_start3A_3 = tpu.memref_slice %arg5[%dma_start3A] : memref<800xi32, #tpu.memory_space<vmem>> -> memref<400xi32, #tpu.memory_space<vmem>>
    %dma_start3A_4 = arith.constant 0 : i32
    %dma_start3A_5 = arith.constant 0 : i32
    %dma_start3A_6 = tpu.memref_slice %arg3[%dma_start3A_4, %dma_start3A_5] : memref<100000x128xf32, #tpu.memory_space<hbm>> -> memref<100000x128xf32, #tpu.memory_space<hbm>>
    tpu.enqueue_indirect_dma source(%dma_start3A_6 : memref<100000x128xf32, #tpu.memory_space<hbm>>) target(%arg6 : memref<400x128xf32, #tpu.memory_space<vmem>>) offsets(%dma_start3A_3 : memref<400xi32, #tpu.memory_space<vmem>>) semaphore(%arg8 : memref<!tpu.dma_semaphore, #tpu.memory_space<semaphore_mem>>)
    %dma_start3A_7 = arith.constant 400 : i32
    %dma_start3A_8 = tpu.memref_slice %arg5[%dma_start3A_7] : memref<800xi32, #tpu.memory_space<vmem>> -> memref<400xi32, #tpu.memory_space<vmem>>
    %dma_start3A_9 = arith.constant 0 : i32
    %dma_start3A_10 = arith.constant 0 : i32
    %dma_start3A_11 = tpu.memref_slice %arg3[%dma_start3A_9, %dma_start3A_10] : memref<100000x128xf32, #tpu.memory_space<hbm>> -> memref<100000x128xf32, #tpu.memory_space<hbm>>
    tpu.enqueue_indirect_dma source(%dma_start3A_11 : memref<100000x128xf32, #tpu.memory_space<hbm>>) target(%arg7 : memref<400x128xf32, #tpu.memory_space<vmem>>) offsets(%dma_start3A_8 : memref<400xi32, #tpu.memory_space<vmem>>) semaphore(%arg9 : memref<!tpu.dma_semaphore, #tpu.memory_space<semaphore_mem>>)
    %dma_wait3A = arith.constant 0 : i32
    %dma_wait3A_12 = tpu.memref_slice %arg5[%dma_wait3A] : memref<800xi32, #tpu.memory_space<vmem>> -> memref<400xi32, #tpu.memory_space<vmem>>
    %dma_wait3A_13 = arith.constant 0 : i32
    %dma_wait3A_14 = arith.constant 0 : i32
    %dma_wait3A_15 = tpu.memref_slice %arg3[%dma_wait3A_13, %dma_wait3A_14] : memref<100000x128xf32, #tpu.memory_space<hbm>> -> memref<100000x128xf32, #tpu.memory_space<hbm>>
    tpu.wait_indirect_dma semaphore(%arg8 : memref<!tpu.dma_semaphore, #tpu.memory_space<semaphore_mem>>) src(%dma_wait3A_15 : memref<100000x128xf32, #tpu.memory_space<hbm>>) dst(%arg6 : memref<400x128xf32, #tpu.memory_space<vmem>>)
    %dma_start3A_16 = arith.constant 0 : i32
    %dma_start3A_17 = tpu.memref_slice %arg4[%mul3A_2, %dma_start3A_16] : memref<25600x128xf32, #tpu.memory_space<hbm>> -> memref<400x128xf32, #tpu.memory_space<hbm>>
    %dma_start3A_18 = arith.constant 0 : i32
    %dma_start3A_19 = tpu.memref_slice %arg4[%mul3A_2, %dma_start3A_18] : memref<25600x128xf32, #tpu.memory_space<hbm>> -> memref<400x128xf32, #tpu.memory_space<hbm>>
    tpu.enqueue_dma source(%arg6 : memref<400x128xf32, #tpu.memory_space<vmem>>) target(%dma_start3A_19 : memref<400x128xf32, #tpu.memory_space<hbm>>) target_semaphore(%arg10 : memref<!tpu.dma_semaphore, #tpu.memory_space<semaphore_mem>>)
    %dma_wait3A_20 = arith.constant 400 : i32
    %dma_wait3A_21 = tpu.memref_slice %arg5[%dma_wait3A_20] : memref<800xi32, #tpu.memory_space<vmem>> -> memref<400xi32, #tpu.memory_space<vmem>>
    %dma_wait3A_22 = arith.constant 0 : i32
    %dma_wait3A_23 = arith.constant 0 : i32
    %dma_wait3A_24 = tpu.memref_slice %arg3[%dma_wait3A_22, %dma_wait3A_23] : memref<100000x128xf32, #tpu.memory_space<hbm>> -> memref<100000x128xf32, #tpu.memory_space<hbm>>
    tpu.wait_indirect_dma semaphore(%arg9 : memref<!tpu.dma_semaphore, #tpu.memory_space<semaphore_mem>>) src(%dma_wait3A_24 : memref<100000x128xf32, #tpu.memory_space<hbm>>) dst(%arg7 : memref<400x128xf32, #tpu.memory_space<vmem>>)
    %add3A_25 = arith.constant 400 : i32
    %add3A_26 = arith.addi %mul3A_2, %add3A_25 : i32
    %dma_start3A_27 = arith.constant 0 : i32
    %dma_start3A_28 = tpu.memref_slice %arg4[%add3A_26, %dma_start3A_27] : memref<25600x128xf32, #tpu.memory_space<hbm>> -> memref<400x128xf32, #tpu.memory_space<hbm>>
    %dma_start3A_29 = arith.constant 0 : i32
    %dma_start3A_30 = tpu.memref_slice %arg4[%add3A_26, %dma_start3A_29] : memref<25600x128xf32, #tpu.memory_space<hbm>> -> memref<400x128xf32, #tpu.memory_space<hbm>>
    tpu.enqueue_dma source(%arg7 : memref<400x128xf32, #tpu.memory_space<vmem>>) target(%dma_start3A_30 : memref<400x128xf32, #tpu.memory_space<hbm>>) target_semaphore(%arg11 : memref<!tpu.dma_semaphore, #tpu.memory_space<semaphore_mem>>)
    %dma_wait3A_31 = arith.constant 0 : i32
    %dma_wait3A_32 = tpu.memref_slice %arg4[%mul3A_2, %dma_wait3A_31] : memref<25600x128xf32, #tpu.memory_space<hbm>> -> memref<400x128xf32, #tpu.memory_space<hbm>>
    %dma_wait3A_33 = arith.constant 0 : i32
    %dma_wait3A_34 = tpu.memref_slice %arg4[%mul3A_2, %dma_wait3A_33] : memref<25600x128xf32, #tpu.memory_space<hbm>> -> memref<400x128xf32, #tpu.memory_space<hbm>>
    tpu.wait_dma2 semaphore(%arg10 : memref<!tpu.dma_semaphore, #tpu.memory_space<semaphore_mem>>) src(%arg6 : memref<400x128xf32, #tpu.memory_space<vmem>>) dst(%dma_wait3A_34 : memref<400x128xf32, #tpu.memory_space<hbm>>)
    %dma_wait3A_35 = arith.constant 0 : i32
    %dma_wait3A_36 = tpu.memref_slice %arg4[%add3A_26, %dma_wait3A_35] : memref<25600x128xf32, #tpu.memory_space<hbm>> -> memref<400x128xf32, #tpu.memory_space<hbm>>
    %dma_wait3A_37 = arith.constant 0 : i32
    %dma_wait3A_38 = tpu.memref_slice %arg4[%add3A_26, %dma_wait3A_37] : memref<25600x128xf32, #tpu.memory_space<hbm>> -> memref<400x128xf32, #tpu.memory_space<hbm>>
    tpu.wait_dma2 semaphore(%arg11 : memref<!tpu.dma_semaphore, #tpu.memory_space<semaphore_mem>>) src(%arg7 : memref<400x128xf32, #tpu.memory_space<vmem>>) dst(%dma_wait3A_38 : memref<400x128xf32, #tpu.memory_space<hbm>>)
    return
  }
}

module attributes {stable_mosaic.version = 14 : i64} {
  func.func @_tc_body(%arg0: i32, %arg1: memref<4x400x16xi32, #tpu.memory_space<vmem>>, %arg2: memref<1600x128xf32, #tpu.memory_space<vmem>>, %arg3: memref<96x64xf32, #tpu.memory_space<vmem>>, %arg4: memref<64x640xf32, #tpu.memory_space<vmem>>, %arg5: memref<128xf32, #tpu.memory_space<vmem>>, %arg6: memref<16x2048xbf16, #tpu.memory_space<vmem>>, %arg7: memref<1x2048xbf16, #tpu.memory_space<vmem>>, %arg8: memref<256x256xf32, #tpu.memory_space<vmem>>, %arg9: memref<256xf32, #tpu.memory_space<vmem>>, %arg10: memref<256x256xf32, #tpu.memory_space<vmem>>, %arg11: memref<256xf32, #tpu.memory_space<vmem>>, %arg12: memref<256x256xf32, #tpu.memory_space<vmem>>, %arg13: memref<256xf32, #tpu.memory_space<vmem>>, %arg14: memref<256x256xf32, #tpu.memory_space<vmem>>, %arg15: memref<256xf32, #tpu.memory_space<vmem>>, %arg16: memref<1600x256xf32, #tpu.memory_space<vmem>>, %arg17: memref<768x256xbf16, #tpu.memory_space<vmem>>) attributes {dimension_semantics = [#tpu.dimension_semantics<arbitrary>], iteration_bounds = array<i64: 16>, scalar_prefetch = 0 : i64, scratch_operands = 1 : i64, tpu.core_type = #tpu.core_type<tc>, window_params = [{transform_indices = @transform_0, window_bounds = array<i64: 4, 400, 16>}, {transform_indices = @transform_1, window_bounds = array<i64: 1600, 128>}, {pipeline_mode = #tpu.pipeline_mode<synchronous>, transform_indices = @transform_2, window_bounds = array<i64: 96, 64>}, {pipeline_mode = #tpu.pipeline_mode<synchronous>, transform_indices = @transform_3, window_bounds = array<i64: 64, 640>}, {pipeline_mode = #tpu.pipeline_mode<synchronous>, transform_indices = @transform_4, window_bounds = array<i64: 128>}, {pipeline_mode = #tpu.pipeline_mode<synchronous>, transform_indices = @transform_5, window_bounds = array<i64: 16, 2048>}, {pipeline_mode = #tpu.pipeline_mode<synchronous>, transform_indices = @transform_6, window_bounds = array<i64: 1, 2048>}, {pipeline_mode = #tpu.pipeline_mode<synchronous>, transform_indices = @transform_7, window_bounds = array<i64: 256, 256>}, {pipeline_mode = #tpu.pipeline_mode<synchronous>, transform_indices = @transform_8, window_bounds = array<i64: 256>}, {pipeline_mode = #tpu.pipeline_mode<synchronous>, transform_indices = @transform_9, window_bounds = array<i64: 256, 256>}, {pipeline_mode = #tpu.pipeline_mode<synchronous>, transform_indices = @transform_10, window_bounds = array<i64: 256>}, {pipeline_mode = #tpu.pipeline_mode<synchronous>, transform_indices = @transform_11, window_bounds = array<i64: 256, 256>}, {pipeline_mode = #tpu.pipeline_mode<synchronous>, transform_indices = @transform_12, window_bounds = array<i64: 256>}, {pipeline_mode = #tpu.pipeline_mode<synchronous>, transform_indices = @transform_13, window_bounds = array<i64: 256, 256>}, {pipeline_mode = #tpu.pipeline_mode<synchronous>, transform_indices = @transform_14, window_bounds = array<i64: 256>}, {transform_indices = @transform_15, window_bounds = array<i64: 1600, 256>}]} {
    %eq3A = arith.constant 0 : i32
    %eq3A_0 = arith.cmpi eq, %arg0, %eq3A : i32
    %convert_element_type3A = arith.extui %eq3A_0 : i1 to i32
    %cond3A = arith.constant 0 : i32
    %cond3A_1 = arith.cmpi ne, %convert_element_type3A, %cond3A : i32
    scf.if %cond3A_1 {
      %broadcast_in_dim3A_124 = arith.constant 0.000000e+00 : bf16
      %broadcast_in_dim3A_125 = vector.broadcast %broadcast_in_dim3A_124 : bf16 to vector<768x256xbf16>
      %swap3A_126 = arith.constant 0 : index
      %swap3A_127 = arith.constant 0 : index
      %swap3A_128 = vector.load %arg17[%swap3A_126, %swap3A_127] : memref<768x256xbf16, #tpu.memory_space<vmem>>, vector<768x256xbf16>
      tpu.vector_store %arg17[%swap3A_126, %swap3A_127], %broadcast_in_dim3A_125 {strides = array<i32>} : memref<768x256xbf16, #tpu.memory_space<vmem>>, vector<768x256xbf16>,
      %get3A_129 = arith.constant 0 : index
      %get3A_130 = arith.constant 0 : index
      %get3A_131 = vector.load %arg3[%get3A_129, %get3A_130] : memref<96x64xf32, #tpu.memory_space<vmem>>, vector<96x64xf32>
      %get3A_132 = arith.constant 0 : index
      %get3A_133 = arith.constant 0 : index
      %get3A_134 = vector.load %arg4[%get3A_132, %get3A_133] : memref<64x640xf32, #tpu.memory_space<vmem>>, vector<64x640xf32>
      %dot_general3A_135 = arith.constant dense<0.000000e+00> : vector<96x640xf32>
      %dot_general3A_136 = tpu.matmul %get3A_131, %get3A_134, %dot_general3A_135 {dimension_numbers = #tpu.dot_dimension_numbers<[1], [0], [0], [1], [0, 0, 1, 1], [], []>, transpose_lhs_hint = false} : vector<96x64xf32>, vector<64x640xf32>, vector<96x640xf32> -> vector<96x640xf32>
      %slice3A_137 = vector.extract_strided_slice %dot_general3A_136 {offsets = [0, 0], sizes = [96, 128], strides = [1, 1]} : vector<96x640xf32> to vector<96x128xf32>
      %convert_element_type3A_138 = arith.truncf %slice3A_137 : vector<96x128xf32> to vector<96x128xbf16>
      %swap3A_139 = arith.constant 0 : index
      %swap3A_140 = arith.constant 0 : index
      %swap3A_141 = vector.load %arg17[%swap3A_139, %swap3A_140] : memref<768x256xbf16, #tpu.memory_space<vmem>>, vector<96x128xbf16>
      tpu.vector_store %arg17[%swap3A_139, %swap3A_140], %convert_element_type3A_138 {strides = array<i32>} : memref<768x256xbf16, #tpu.memory_space<vmem>>, vector<96x128xbf16>,
      %swap3A_142 = arith.constant 128 : index
      %swap3A_143 = arith.constant 128 : index
      %swap3A_144 = vector.load %arg17[%swap3A_142, %swap3A_143] : memref<768x256xbf16, #tpu.memory_space<vmem>>, vector<96x128xbf16>
      tpu.vector_store %arg17[%swap3A_142, %swap3A_143], %convert_element_type3A_138 {strides = array<i32>} : memref<768x256xbf16, #tpu.memory_space<vmem>>, vector<96x128xbf16>,
      %slice3A_145 = vector.extract_strided_slice %dot_general3A_136 {offsets = [0, 128], sizes = [96, 128], strides = [1, 1]} : vector<96x640xf32> to vector<96x128xf32>
      %convert_element_type3A_146 = arith.truncf %slice3A_145 : vector<96x128xf32> to vector<96x128xbf16>
      %swap3A_147 = arith.constant 128 : index
      %swap3A_148 = arith.constant 0 : index
      %swap3A_149 = vector.load %arg17[%swap3A_147, %swap3A_148] : memref<768x256xbf16, #tpu.memory_space<vmem>>, vector<96x128xbf16>
      tpu.vector_store %arg17[%swap3A_147, %swap3A_148], %convert_element_type3A_146 {strides = array<i32>} : memref<768x256xbf16, #tpu.memory_space<vmem>>, vector<96x128xbf16>,
      %swap3A_150 = arith.constant 256 : index
      %swap3A_151 = arith.constant 128 : index
      %swap3A_152 = vector.load %arg17[%swap3A_150, %swap3A_151] : memref<768x256xbf16, #tpu.memory_space<vmem>>, vector<96x128xbf16>
      tpu.vector_store %arg17[%swap3A_150, %swap3A_151], %convert_element_type3A_146 {strides = array<i32>} : memref<768x256xbf16, #tpu.memory_space<vmem>>, vector<96x128xbf16>,
      %slice3A_153 = vector.extract_strided_slice %dot_general3A_136 {offsets = [0, 256], sizes = [96, 128], strides = [1, 1]} : vector<96x640xf32> to vector<96x128xf32>
      %convert_element_type3A_154 = arith.truncf %slice3A_153 : vector<96x128xf32> to vector<96x128xbf16>
      %swap3A_155 = arith.constant 256 : index
      %swap3A_156 = arith.constant 0 : index
      %swap3A_157 = vector.load %arg17[%swap3A_155, %swap3A_156] : memref<768x256xbf16, #tpu.memory_space<vmem>>, vector<96x128xbf16>
      tpu.vector_store %arg17[%swap3A_155, %swap3A_156], %convert_element_type3A_154 {strides = array<i32>} : memref<768x256xbf16, #tpu.memory_space<vmem>>, vector<96x128xbf16>,
      %swap3A_158 = arith.constant 384 : index
      %swap3A_159 = arith.constant 128 : index
      %swap3A_160 = vector.load %arg17[%swap3A_158, %swap3A_159] : memref<768x256xbf16, #tpu.memory_space<vmem>>, vector<96x128xbf16>
      tpu.vector_store %arg17[%swap3A_158, %swap3A_159], %convert_element_type3A_154 {strides = array<i32>} : memref<768x256xbf16, #tpu.memory_space<vmem>>, vector<96x128xbf16>,
      %slice3A_161 = vector.extract_strided_slice %dot_general3A_136 {offsets = [0, 384], sizes = [96, 128], strides = [1, 1]} : vector<96x640xf32> to vector<96x128xf32>
      %convert_element_type3A_162 = arith.truncf %slice3A_161 : vector<96x128xf32> to vector<96x128xbf16>
      %swap3A_163 = arith.constant 384 : index
      %swap3A_164 = arith.constant 0 : index
      %swap3A_165 = vector.load %arg17[%swap3A_163, %swap3A_164] : memref<768x256xbf16, #tpu.memory_space<vmem>>, vector<96x128xbf16>
      tpu.vector_store %arg17[%swap3A_163, %swap3A_164], %convert_element_type3A_162 {strides = array<i32>} : memref<768x256xbf16, #tpu.memory_space<vmem>>, vector<96x128xbf16>,
      %swap3A_166 = arith.constant 512 : index
      %swap3A_167 = arith.constant 128 : index
      %swap3A_168 = vector.load %arg17[%swap3A_166, %swap3A_167] : memref<768x256xbf16, #tpu.memory_space<vmem>>, vector<96x128xbf16>
      tpu.vector_store %arg17[%swap3A_166, %swap3A_167], %convert_element_type3A_162 {strides = array<i32>} : memref<768x256xbf16, #tpu.memory_space<vmem>>, vector<96x128xbf16>,
      %slice3A_169 = vector.extract_strided_slice %dot_general3A_136 {offsets = [0, 512], sizes = [96, 128], strides = [1, 1]} : vector<96x640xf32> to vector<96x128xf32>
      %convert_element_type3A_170 = arith.truncf %slice3A_169 : vector<96x128xf32> to vector<96x128xbf16>
      %swap3A_171 = arith.constant 512 : index
      %swap3A_172 = arith.constant 0 : index
      %swap3A_173 = vector.load %arg17[%swap3A_171, %swap3A_172] : memref<768x256xbf16, #tpu.memory_space<vmem>>, vector<96x128xbf16>
      tpu.vector_store %arg17[%swap3A_171, %swap3A_172], %convert_element_type3A_170 {strides = array<i32>} : memref<768x256xbf16, #tpu.memory_space<vmem>>, vector<96x128xbf16>,
      %swap3A_174 = arith.constant 640 : index
      %swap3A_175 = arith.constant 128 : index
      %swap3A_176 = vector.load %arg17[%swap3A_174, %swap3A_175] : memref<768x256xbf16, #tpu.memory_space<vmem>>, vector<96x128xbf16>
      tpu.vector_store %arg17[%swap3A_174, %swap3A_175], %convert_element_type3A_170 {strides = array<i32>} : memref<768x256xbf16, #tpu.memory_space<vmem>>, vector<96x128xbf16>,
    } else {
    }
    %get3A = arith.constant 0 : index
    %get3A_2 = arith.constant 0 : index
    %get3A_3 = arith.constant 0 : index
    %get3A_4 = vector.load %arg1[%get3A, %get3A_2, %get3A_3] : memref<4x400x16xi32, #tpu.memory_space<vmem>>, vector<4x400x16xi32>
    %reshape3A = vector.shape_cast %get3A_4 : vector<4x400x16xi32> to vector<1600x16xi32>
    %convert_element_type3A_5 = arith.sitofp %reshape3A : vector<1600x16xi32> to vector<1600x16xbf16>
    %get3A_6 = arith.constant 0 : index
    %get3A_7 = arith.constant 0 : index
    %get3A_8 = vector.load %arg6[%get3A_6, %get3A_7] : memref<16x2048xbf16, #tpu.memory_space<vmem>>, vector<16x2048xbf16>
    %dot_general3A = arith.constant dense<0.000000e+00> : vector<1600x2048xf32>
    %dot_general3A_9 = tpu.matmul %convert_element_type3A_5, %get3A_8, %dot_general3A {dimension_numbers = #tpu.dot_dimension_numbers<[1], [0], [0], [1], [0, 0, 1, 1], [], []>, transpose_lhs_hint = false} : vector<1600x16xbf16>, vector<16x2048xbf16>, vector<1600x2048xf32> -> vector<1600x2048xf32>
    %convert_element_type3A_10 = arith.truncf %dot_general3A_9 : vector<1600x2048xf32> to vector<1600x2048xbf16>
    %get3A_11 = arith.constant 0 : index
    %get3A_12 = arith.constant 0 : index
    %get3A_13 = vector.load %arg7[%get3A_11, %get3A_12] : memref<1x2048xbf16, #tpu.memory_space<vmem>>, vector<1x2048xbf16>
    %eq3A_14 = vector.broadcast %get3A_13 : vector<1x2048xbf16> to vector<1600x2048xbf16>
    %eq3A_15 = arith.cmpf oeq, %convert_element_type3A_10, %eq3A_14 : vector<1600x2048xbf16>
    %jit3A = arith.constant 1.000000e+00 : bf16
    %jit3A_16 = arith.constant 0.000000e+00 : bf16
    %broadcast_in_dim3A = vector.broadcast %jit3A : bf16 to vector<1600x2048xbf16>
    %broadcast_in_dim3A_17 = vector.broadcast %jit3A_16 : bf16 to vector<1600x2048xbf16>
    %select_n3A = arith.select %eq3A_15, %broadcast_in_dim3A, %broadcast_in_dim3A_17 : vector<1600x2048xi1>, vector<1600x2048xbf16>
    %get3A_18 = arith.constant 0 : index
    %get3A_19 = arith.constant 0 : index
    %get3A_20 = vector.load %arg17[%get3A_18, %get3A_19] : memref<768x256xbf16, #tpu.memory_space<vmem>>, vector<768x256xbf16>
    %slice3A = vector.extract_strided_slice %select_n3A {offsets = [0, 0], sizes = [1600, 768], strides = [1, 1]} : vector<1600x2048xbf16> to vector<1600x768xbf16>
    %dot_general3A_21 = arith.constant dense<0.000000e+00> : vector<1600x256xf32>
    %dot_general3A_22 = tpu.matmul %slice3A, %get3A_20, %dot_general3A_21 {dimension_numbers = #tpu.dot_dimension_numbers<[1], [0], [0], [1], [0, 0, 1, 1], [], []>, transpose_lhs_hint = false} : vector<1600x768xbf16>, vector<768x256xbf16>, vector<1600x256xf32> -> vector<1600x256xf32>
    %slice3A_23 = vector.extract_strided_slice %select_n3A {offsets = [0, 256], sizes = [1600, 768], strides = [1, 1]} : vector<1600x2048xbf16> to vector<1600x768xbf16>
    %dot_general3A_24 = arith.constant dense<0.000000e+00> : vector<1600x256xf32>
    %dot_general3A_25 = tpu.matmul %slice3A_23, %get3A_20, %dot_general3A_24 {dimension_numbers = #tpu.dot_dimension_numbers<[1], [0], [0], [1], [0, 0, 1, 1], [], []>, transpose_lhs_hint = false} : vector<1600x768xbf16>, vector<768x256xbf16>, vector<1600x256xf32> -> vector<1600x256xf32>
    %max3A = arith.maximumf %dot_general3A_22, %dot_general3A_25 : vector<1600x256xf32>
    %slice3A_26 = vector.extract_strided_slice %select_n3A {offsets = [0, 512], sizes = [1600, 768], strides = [1, 1]} : vector<1600x2048xbf16> to vector<1600x768xbf16>
    %dot_general3A_27 = arith.constant dense<0.000000e+00> : vector<1600x256xf32>
    %dot_general3A_28 = tpu.matmul %slice3A_26, %get3A_20, %dot_general3A_27 {dimension_numbers = #tpu.dot_dimension_numbers<[1], [0], [0], [1], [0, 0, 1, 1], [], []>, transpose_lhs_hint = false} : vector<1600x768xbf16>, vector<768x256xbf16>, vector<1600x256xf32> -> vector<1600x256xf32>
    %max3A_29 = arith.maximumf %max3A, %dot_general3A_28 : vector<1600x256xf32>
    %slice3A_30 = vector.extract_strided_slice %select_n3A {offsets = [0, 768], sizes = [1600, 768], strides = [1, 1]} : vector<1600x2048xbf16> to vector<1600x768xbf16>
    %dot_general3A_31 = arith.constant dense<0.000000e+00> : vector<1600x256xf32>
    %dot_general3A_32 = tpu.matmul %slice3A_30, %get3A_20, %dot_general3A_31 {dimension_numbers = #tpu.dot_dimension_numbers<[1], [0], [0], [1], [0, 0, 1, 1], [], []>, transpose_lhs_hint = false} : vector<1600x768xbf16>, vector<768x256xbf16>, vector<1600x256xf32> -> vector<1600x256xf32>
    %max3A_33 = arith.maximumf %max3A_29, %dot_general3A_32 : vector<1600x256xf32>
    %slice3A_34 = vector.extract_strided_slice %select_n3A {offsets = [0, 1024], sizes = [1600, 768], strides = [1, 1]} : vector<1600x2048xbf16> to vector<1600x768xbf16>
    %dot_general3A_35 = arith.constant dense<0.000000e+00> : vector<1600x256xf32>
    %dot_general3A_36 = tpu.matmul %slice3A_34, %get3A_20, %dot_general3A_35 {dimension_numbers = #tpu.dot_dimension_numbers<[1], [0], [0], [1], [0, 0, 1, 1], [], []>, transpose_lhs_hint = false} : vector<1600x768xbf16>, vector<768x256xbf16>, vector<1600x256xf32> -> vector<1600x256xf32>
    %max3A_37 = arith.maximumf %max3A_33, %dot_general3A_36 : vector<1600x256xf32>
    %slice3A_38 = vector.extract_strided_slice %select_n3A {offsets = [0, 1280], sizes = [1600, 768], strides = [1, 1]} : vector<1600x2048xbf16> to vector<1600x768xbf16>
    %dot_general3A_39 = arith.constant dense<0.000000e+00> : vector<1600x256xf32>
    %dot_general3A_40 = tpu.matmul %slice3A_38, %get3A_20, %dot_general3A_39 {dimension_numbers = #tpu.dot_dimension_numbers<[1], [0], [0], [1], [0, 0, 1, 1], [], []>, transpose_lhs_hint = false} : vector<1600x768xbf16>, vector<768x256xbf16>, vector<1600x256xf32> -> vector<1600x256xf32>
    %max3A_41 = arith.maximumf %max3A_37, %dot_general3A_40 : vector<1600x256xf32>
    %slice3A_42 = vector.extract_strided_slice %max3A_41 {offsets = [0, 0], sizes = [1600, 128], strides = [1, 1]} : vector<1600x256xf32> to vector<1600x128xf32>
    %slice3A_43 = vector.extract_strided_slice %max3A_41 {offsets = [0, 128], sizes = [1600, 128], strides = [1, 1]} : vector<1600x256xf32> to vector<1600x128xf32>
    %max3A_44 = arith.maximumf %slice3A_42, %slice3A_43 : vector<1600x128xf32>
    %get3A_45 = arith.constant 0 : index
    %get3A_46 = vector.load %arg5[%get3A_45] : memref<128xf32, #tpu.memory_space<vmem>>, vector<128xf32>
    %broadcast_in_dim3A_47 = vector.shape_cast %get3A_46 : vector<128xf32> to vector<1x128xf32>
    %add3A = vector.broadcast %broadcast_in_dim3A_47 : vector<1x128xf32> to vector<1600x128xf32>
    %add3A_48 = arith.addf %max3A_44, %add3A : vector<1600x128xf32>
    %max3A_49 = arith.constant 0.000000e+00 : f32
    %max3A_50 = vector.broadcast %max3A_49 : f32 to vector<1600x128xf32>
    %max3A_51 = arith.maximumf %add3A_48, %max3A_50 : vector<1600x128xf32>
    %get3A_52 = arith.constant 0 : index
    %get3A_53 = arith.constant 0 : index
    %get3A_54 = vector.load %arg2[%get3A_52, %get3A_53] : memref<1600x128xf32, #tpu.memory_space<vmem>>, vector<1600x128xf32>
    %concatenate3A = tpu.concatenate %get3A_54, %max3A_51 in 1 : vector<1600x128xf32>, vector<1600x128xf32> -> vector<1600x256xf32>
    %get3A_55 = arith.constant 0 : index
    %get3A_56 = arith.constant 0 : index
    %get3A_57 = vector.load %arg8[%get3A_55, %get3A_56] : memref<256x256xf32, #tpu.memory_space<vmem>>, vector<256x256xf32>
    %dot_general3A_58 = arith.constant dense<0.000000e+00> : vector<1600x256xf32>
    %dot_general3A_59 = tpu.matmul %concatenate3A, %get3A_57, %dot_general3A_58 {dimension_numbers = #tpu.dot_dimension_numbers<[1], [1], [0], [0], [0, 0, 1, 0], [], []>, transpose_lhs_hint = false} : vector<1600x256xf32>, vector<256x256xf32>, vector<1600x256xf32> -> vector<1600x256xf32>
    %get3A_60 = arith.constant 0 : index
    %get3A_61 = vector.load %arg9[%get3A_60] : memref<256xf32, #tpu.memory_space<vmem>>, vector<256xf32>
    %broadcast_in_dim3A_62 = vector.shape_cast %get3A_61 : vector<256xf32> to vector<1x256xf32>
    %add3A_63 = vector.broadcast %broadcast_in_dim3A_62 : vector<1x256xf32> to vector<1600x256xf32>
    %add3A_64 = arith.addf %dot_general3A_59, %add3A_63 : vector<1600x256xf32>
    %logistic3A = arith.negf %add3A_64 : vector<1600x256xf32>
    %logistic3A_65 = math.exp %logistic3A : vector<1600x256xf32>
    %logistic3A_66 = arith.constant 1.000000e+00 : f32
    %logistic3A_67 = vector.broadcast %logistic3A_66 : f32 to vector<1600x256xf32>
    %logistic3A_68 = arith.addf %logistic3A_67, %logistic3A_65 : vector<1600x256xf32>
    %logistic3A_69 = arith.divf %logistic3A_67, %logistic3A_68 : vector<1600x256xf32>
    %get3A_70 = arith.constant 0 : index
    %get3A_71 = arith.constant 0 : index
    %get3A_72 = vector.load %arg10[%get3A_70, %get3A_71] : memref<256x256xf32, #tpu.memory_space<vmem>>, vector<256x256xf32>
    %dot_general3A_73 = arith.constant dense<0.000000e+00> : vector<1600x256xf32>
    %dot_general3A_74 = tpu.matmul %concatenate3A, %get3A_72, %dot_general3A_73 {dimension_numbers = #tpu.dot_dimension_numbers<[1], [1], [0], [0], [0, 0, 1, 0], [], []>, transpose_lhs_hint = false} : vector<1600x256xf32>, vector<256x256xf32>, vector<1600x256xf32> -> vector<1600x256xf32>
    %get3A_75 = arith.constant 0 : index
    %get3A_76 = vector.load %arg11[%get3A_75] : memref<256xf32, #tpu.memory_space<vmem>>, vector<256xf32>
    %broadcast_in_dim3A_77 = vector.shape_cast %get3A_76 : vector<256xf32> to vector<1x256xf32>
    %add3A_78 = vector.broadcast %broadcast_in_dim3A_77 : vector<1x256xf32> to vector<1600x256xf32>
    %add3A_79 = arith.addf %dot_general3A_74, %add3A_78 : vector<1600x256xf32>
    %max3A_80 = arith.constant 0.000000e+00 : f32
    %max3A_81 = vector.broadcast %max3A_80 : f32 to vector<1600x256xf32>
    %max3A_82 = arith.maximumf %add3A_79, %max3A_81 : vector<1600x256xf32>
    %mul3A = arith.mulf %logistic3A_69, %max3A_82 : vector<1600x256xf32>
    %sub3A = arith.constant 1.000000e+00 : f32
    %sub3A_83 = vector.broadcast %sub3A : f32 to vector<1600x256xf32>
    %sub3A_84 = arith.subf %sub3A_83, %logistic3A_69 : vector<1600x256xf32>
    %mul3A_85 = arith.mulf %sub3A_84, %concatenate3A : vector<1600x256xf32>
    %add3A_86 = arith.addf %mul3A, %mul3A_85 : vector<1600x256xf32>
    %get3A_87 = arith.constant 0 : index
    %get3A_88 = arith.constant 0 : index
    %get3A_89 = vector.load %arg12[%get3A_87, %get3A_88] : memref<256x256xf32, #tpu.memory_space<vmem>>, vector<256x256xf32>
    %dot_general3A_90 = arith.constant dense<0.000000e+00> : vector<1600x256xf32>
    %dot_general3A_91 = tpu.matmul %add3A_86, %get3A_89, %dot_general3A_90 {dimension_numbers = #tpu.dot_dimension_numbers<[1], [1], [0], [0], [0, 0, 1, 0], [], []>, transpose_lhs_hint = false} : vector<1600x256xf32>, vector<256x256xf32>, vector<1600x256xf32> -> vector<1600x256xf32>
    %get3A_92 = arith.constant 0 : index
    %get3A_93 = vector.load %arg13[%get3A_92] : memref<256xf32, #tpu.memory_space<vmem>>, vector<256xf32>
    %broadcast_in_dim3A_94 = vector.shape_cast %get3A_93 : vector<256xf32> to vector<1x256xf32>
    %add3A_95 = vector.broadcast %broadcast_in_dim3A_94 : vector<1x256xf32> to vector<1600x256xf32>
    %add3A_96 = arith.addf %dot_general3A_91, %add3A_95 : vector<1600x256xf32>
    %logistic3A_97 = arith.negf %add3A_96 : vector<1600x256xf32>
    %logistic3A_98 = math.exp %logistic3A_97 : vector<1600x256xf32>
    %logistic3A_99 = arith.constant 1.000000e+00 : f32
    %logistic3A_100 = vector.broadcast %logistic3A_99 : f32 to vector<1600x256xf32>
    %logistic3A_101 = arith.addf %logistic3A_100, %logistic3A_98 : vector<1600x256xf32>
    %logistic3A_102 = arith.divf %logistic3A_100, %logistic3A_101 : vector<1600x256xf32>
    %get3A_103 = arith.constant 0 : index
    %get3A_104 = arith.constant 0 : index
    %get3A_105 = vector.load %arg14[%get3A_103, %get3A_104] : memref<256x256xf32, #tpu.memory_space<vmem>>, vector<256x256xf32>
    %dot_general3A_106 = arith.constant dense<0.000000e+00> : vector<1600x256xf32>
    %dot_general3A_107 = tpu.matmul %add3A_86, %get3A_105, %dot_general3A_106 {dimension_numbers = #tpu.dot_dimension_numbers<[1], [1], [0], [0], [0, 0, 1, 0], [], []>, transpose_lhs_hint = false} : vector<1600x256xf32>, vector<256x256xf32>, vector<1600x256xf32> -> vector<1600x256xf32>
    %get3A_108 = arith.constant 0 : index
    %get3A_109 = vector.load %arg15[%get3A_108] : memref<256xf32, #tpu.memory_space<vmem>>, vector<256xf32>
    %broadcast_in_dim3A_110 = vector.shape_cast %get3A_109 : vector<256xf32> to vector<1x256xf32>
    %add3A_111 = vector.broadcast %broadcast_in_dim3A_110 : vector<1x256xf32> to vector<1600x256xf32>
    %add3A_112 = arith.addf %dot_general3A_107, %add3A_111 : vector<1600x256xf32>
    %max3A_113 = arith.constant 0.000000e+00 : f32
    %max3A_114 = vector.broadcast %max3A_113 : f32 to vector<1600x256xf32>
    %max3A_115 = arith.maximumf %add3A_112, %max3A_114 : vector<1600x256xf32>
    %mul3A_116 = arith.mulf %logistic3A_102, %max3A_115 : vector<1600x256xf32>
    %sub3A_117 = arith.constant 1.000000e+00 : f32
    %sub3A_118 = vector.broadcast %sub3A_117 : f32 to vector<1600x256xf32>
    %sub3A_119 = arith.subf %sub3A_118, %logistic3A_102 : vector<1600x256xf32>
    %mul3A_120 = arith.mulf %sub3A_119, %add3A_86 : vector<1600x256xf32>
    %add3A_121 = arith.addf %mul3A_116, %mul3A_120 : vector<1600x256xf32>
    %swap3A = arith.constant 0 : index
    %swap3A_122 = arith.constant 0 : index
    %swap3A_123 = vector.load %arg16[%swap3A, %swap3A_122] : memref<1600x256xf32, #tpu.memory_space<vmem>>, vector<1600x256xf32>
    tpu.vector_store %arg16[%swap3A, %swap3A_122], %add3A_121 {strides = array<i32>} : memref<1600x256xf32, #tpu.memory_space<vmem>>, vector<1600x256xf32>,
    return
  }
  func.func @transform_0(%arg0: i32) -> (i32, i32, i32) {
    %c0_i32 = arith.constant 0 : i32
    %c0_i32_0 = arith.constant 0 : i32
    %c0_i32_1 = arith.constant 0 : i32
    return %arg0, %c0_i32, %c0_i32_0 : i32, i32, i32
  }
  func.func @transform_1(%arg0: i32) -> (i32, i32) {
    %c0_i32 = arith.constant 0 : i32
    %c0_i32_0 = arith.constant 0 : i32
    return %arg0, %c0_i32 : i32, i32
  }
  func.func @transform_2(%arg0: i32) -> (i32, i32) {
    %c0_i32 = arith.constant 0 : i32
    %c0_i32_0 = arith.constant 0 : i32
    %c0_i32_1 = arith.constant 0 : i32
    return %c0_i32, %c0_i32_0 : i32, i32
  }
  func.func @transform_3(%arg0: i32) -> (i32, i32) {
    %c0_i32 = arith.constant 0 : i32
    %c0_i32_0 = arith.constant 0 : i32
    %c0_i32_1 = arith.constant 0 : i32
    return %c0_i32, %c0_i32_0 : i32, i32
  }
  func.func @transform_4(%arg0: i32) -> i32 {
    %c0_i32 = arith.constant 0 : i32
    %c0_i32_0 = arith.constant 0 : i32
    return %c0_i32 : i32
  }
  func.func @transform_5(%arg0: i32) -> (i32, i32) {
    %c0_i32 = arith.constant 0 : i32
    %c0_i32_0 = arith.constant 0 : i32
    %c0_i32_1 = arith.constant 0 : i32
    return %c0_i32, %c0_i32_0 : i32, i32
  }
  func.func @transform_6(%arg0: i32) -> (i32, i32) {
    %c0_i32 = arith.constant 0 : i32
    %c0_i32_0 = arith.constant 0 : i32
    %c0_i32_1 = arith.constant 0 : i32
    return %c0_i32, %c0_i32_0 : i32, i32
  }
  func.func @transform_7(%arg0: i32) -> (i32, i32) {
    %c0_i32 = arith.constant 0 : i32
    %c0_i32_0 = arith.constant 0 : i32
    %c0_i32_1 = arith.constant 0 : i32
    return %c0_i32, %c0_i32_0 : i32, i32
  }
  func.func @transform_8(%arg0: i32) -> i32 {
    %c0_i32 = arith.constant 0 : i32
    %c0_i32_0 = arith.constant 0 : i32
    return %c0_i32 : i32
  }
  func.func @transform_9(%arg0: i32) -> (i32, i32) {
    %c0_i32 = arith.constant 0 : i32
    %c0_i32_0 = arith.constant 0 : i32
    %c0_i32_1 = arith.constant 0 : i32
    return %c0_i32, %c0_i32_0 : i32, i32
  }
  func.func @transform_10(%arg0: i32) -> i32 {
    %c0_i32 = arith.constant 0 : i32
    %c0_i32_0 = arith.constant 0 : i32
    return %c0_i32 : i32
  }
  func.func @transform_11(%arg0: i32) -> (i32, i32) {
    %c0_i32 = arith.constant 0 : i32
    %c0_i32_0 = arith.constant 0 : i32
    %c0_i32_1 = arith.constant 0 : i32
    return %c0_i32, %c0_i32_0 : i32, i32
  }
  func.func @transform_12(%arg0: i32) -> i32 {
    %c0_i32 = arith.constant 0 : i32
    %c0_i32_0 = arith.constant 0 : i32
    return %c0_i32 : i32
  }
  func.func @transform_13(%arg0: i32) -> (i32, i32) {
    %c0_i32 = arith.constant 0 : i32
    %c0_i32_0 = arith.constant 0 : i32
    %c0_i32_1 = arith.constant 0 : i32
    return %c0_i32, %c0_i32_0 : i32, i32
  }
  func.func @transform_14(%arg0: i32) -> i32 {
    %c0_i32 = arith.constant 0 : i32
    %c0_i32_0 = arith.constant 0 : i32
    return %c0_i32 : i32
  }
  func.func @transform_15(%arg0: i32) -> (i32, i32) {
    %c0_i32 = arith.constant 0 : i32
    %c0_i32_0 = arith.constant 0 : i32
    return %arg0, %c0_i32 : i32, i32
  }
}

</mosaic_0001>

<sc_bundles>
// kernel: kernel.4.cloned.1.call-start
scs
__scs_entry_jumppad:
0x0: {  	(pc) =	sbr.rel $0x88, $3  }
0x1: {  	(tag) =	ssettag $0x0;
	lr =	simm.s32 $0x1  }
0x2: {  	[smem:$0x3F93] =	sst lr;
	_ =	strace $0xD0000000  }
0x3: {  	_ = 	snop  }
0x4: {  	_ = 	snop  }
0x5: {  	_ = 	snop  }
0x6: {  	_ = 	snop  }
0x7: {  	_ = 	snop  }
__scs_overlays_trampoline_lowered:
0x8: {  	[smem:$0x3FA2] =	sst s0  }
0x9: {  	[smem:$0x3FA3] =	sst s1  }
0xa: {  	[smem:$0x3FA4] =	sst s2  }
0xb: {  	[smem:$0x3FA5] =	sst s3  }
0xc: {  	[smem:$0x3FA6] =	sst s4  }
0xd: {  	[smem:$0x3FA7] =	sst s5  }
0xe: {  	[smem:$0x3FA8] =	sst s6  }
0xf: {  	[smem:$0x3FA9] =	sst s7  }
0x10: {  	[smem:$0x3FAA] =	sst s8  }
0x11: {  	[smem:$0x3FAB] =	sst s9;
	s0 =	simm.s32 @!p0 $0x0  }
0x12: {  	s1 =	sld [smem:$0x3F91];
	s0 =	simm.s32 @p0 $0x1  }
0x13: {  	[smem:$0x3FAC] =	sst s0;
	s0 =	simm.s32 @!p1 $0x0  }
0x14: {  	s2 =	sld [smem:$0x3F90];
	s0 =	simm.s32 @p1 $0x1  }
0x15: {  	[smem:$0x3FAD] =	sst s0;
	s0 =	simm.s32 @!p2 $0x0  }
0x16: {  	s3 =	sld [smem:$0x3FDB];
	s0 =	simm.s32 @p2 $0x1  }
0x17: {  	s4 =	simm.s32 $0x1BF5;
	[smem:$0x3FAF] =	sst s0  }
0x18: {  	s0 =	sld [smem:$0x3F92];
	_ =	swait.ge [sflag:s4], $0x0  }
0x19: {  	s7 =	sld [smem:$0x3F93]  }
0x1a: {  	s8 =	sadd.s32 $0xFFFFE003, lr  }
0x1b: {  	s9 =	sadd.s32 $0xFFFFFEF7, lr;
	s5 =	simm.s32 $0xFFFFFFFF;
	p2 =	slt.u32 s8, $0xFFFFF086  }
0x1c: {  	p1 =	slt.u32 s9, $0xF7A;
	s5 =	simm.s32 @!p2 $0x0  }
0x1d: {  	s5 =	simm.s32 @p1 $0x1;
	p0 =	seq.s32 s7, s2  }
0x1e: {  	s7 =	smul.u32 @!p0 $0xF7A, s2;
	p2 =	seq.s32 @!p0 s5, $0x0  }
0x1f: {  	s9 =	smul.u32 $0xF7A, s1;
	s8 =	simm.s32 @!p0 $0x1BF5;
	p2 =	por !p2, p0  }
0x20: {  	[sflag:s8] =	ssyncset.s32 @!p0 $0xFFFFF086;
	s6 =	sadd.s32 @!p0 s3, s7;
	s7 =	simm.s32 @!p0 $0x108  }
0x21: {  	s3 =	sadd.s32 s3, s9;
	s6 =	sadd.s32 @!p0 $0x88, s6;
	s7 =	simm.s32 @p2 $0x1082  }
0x22: {  	[simem:s7], [sflag:s8] =	dma.local @!p0 [hbm:s6], $0xF7A  }
0x23: {  	s9 =	sor.u32 $0xD0000000, s2;
	s6 =	simm.s32 $0x108;
	_ =	swait.ge @!p0 [sflag:s8], $0x0  }
0x24: {  	s3 =	sadd.s32 $0x88, s3;
	s6 =	simm.s32 @!p1 $0x1082;
	[sflag:s4] =	ssyncset.s32 $0xFFFFF086  }
0x25: {  	[simem:s6], [sflag:s4] =	dma.local [hbm:s3], $0xF7A  }
0x26: {  	[smem:$0x3F93] =	sst s1;
	(tag) =	ssettag s2;
	_ =	strace s9  }
0x27: {  	s1 =	sld [smem:$0x3FA3]  }
0x28: {  	s2 =	sld [smem:$0x3FA4]  }
0x29: {  	s4 =	sld [smem:$0x3FA6]  }
0x2a: {  	p0 =	seq.s32 s5, $0x0;
	s5 =	sld [smem:$0x3FA7]  }
0x2b: {  	s6 =	sld [smem:$0x3FA8]  }
0x2c: {  	s7 =	sld [smem:$0x3FA9]  }
0x2d: {  	s3 =	simm.s32 $0x108;
	s8 =	sld [smem:$0x3FAA]  }
0x2e: {  	s3 =	simm.s32 @!p0 $0x1082;
	s9 =	sld [smem:$0x3FAB]  }
0x2f: {  	lr =	sadd.s32 s0, s3;
	s0 =	sld [smem:$0x3FA2]  }
0x30: {  	s3 =	sld [smem:$0x3FA5]  }
0x31: {  	[smem:$0x3FAE] =	sst s10  }
0x32: {  	s10 =	sld [smem:$0x3FAC];
	_ =	sdelay $0x3  }
0x33: {  	p0 =	seq.s32 s10, $0x1;
	s10 =	sld [smem:$0x3FAE];
	_ =	sdelay $0x3  }
0x34: {  	[smem:$0x3FAE] =	sst s10  }
0x35: {  	s10 =	sld [smem:$0x3FAD];
	_ =	sdelay $0x3  }
0x36: {  	p1 =	seq.s32 s10, $0x1;
	s10 =	sld [smem:$0x3FAE];
	_ =	sdelay $0x3  }
0x37: {  	[smem:$0x3FAE] =	sst s10  }
0x38: {  	s10 =	sld [smem:$0x3FAF]  }
0x39: {  	_ = 	snop;
	(pc) =	sbr.ind lr, $3  }
0x3a: {  	_ = 	snop  }
0x3b: {  	_ = 	snop  }
0x3c: {  	p2 =	seq.s32 s10, $0x1;
	s10 =	sld [smem:$0x3FAE]  }
0x3d: {  	_ =	shalt  }
0x3e: {  	_ =	shalt  }
0x3f: {  	_ =	shalt  }
0x40: {  	_ =	shalt  }
0x41: {  	_ =	shalt  }
0x42: {  	_ =	shalt  }
0x43: {  	_ =	shalt  }
0x44: {  	_ =	shalt  }
0x45: {  	_ =	shalt  }
0x46: {  	_ =	shalt  }
0x47: {  	_ =	shalt  }
0x48: {  	_ =	shalt  }
0x49: {  	_ =	shalt  }
0x4a: {  	_ =	shalt  }
0x4b: {  	_ =	shalt  }
0x4c: {  	_ =	shalt  }
0x4d: {  	_ =	shalt  }
0x4e: {  	_ =	shalt  }
0x4f: {  	_ =	shalt  }
0x50: {  	_ =	shalt  }
0x51: {  	_ =	shalt  }
0x52: {  	_ =	shalt  }
0x53: {  	_ =	shalt  }
0x54: {  	_ =	shalt  }
0x55: {  	_ =	shalt  }
0x56: {  	_ =	shalt  }
0x57: {  	_ =	shalt  }
0x58: {  	_ =	shalt  }
0x59: {  	_ =	shalt  }
0x5a: {  	_ =	shalt  }
0x5b: {  	_ =	shalt  }
0x5c: {  	_ =	shalt  }
0x5d: {  	_ =	shalt  }
0x5e: {  	_ =	shalt  }
0x5f: {  	_ =	shalt  }
0x60: {  	_ =	shalt  }
0x61: {  	_ =	shalt  }
0x62: {  	_ =	shalt  }
0x63: {  	_ =	shalt  }
0x64: {  	_ =	shalt  }
0x65: {  	_ =	shalt  }
0x66: {  	_ =	shalt  }
0x67: {  	_ =	shalt  }
0x68: {  	_ =	shalt  }
0x69: {  	_ =	shalt  }
0x6a: {  	_ =	shalt  }
0x6b: {  	_ =	shalt  }
0x6c: {  	_ =	shalt  }
0x6d: {  	_ =	shalt  }
0x6e: {  	_ =	shalt  }
0x6f: {  	_ =	shalt  }
0x70: {  	_ =	shalt  }
0x71: {  	_ =	shalt  }
0x72: {  	_ =	shalt  }
0x73: {  	_ =	shalt  }
0x74: {  	_ =	shalt  }
0x75: {  	_ =	shalt  }
0x76: {  	_ =	shalt  }
0x77: {  	_ =	shalt  }
0x78: {  	_ =	shalt  }
0x79: {  	_ =	shalt  }
0x7a: {  	_ =	shalt  }
0x7b: {  	_ =	shalt  }
0x7c: {  	_ =	shalt  }
0x7d: {  	_ =	shalt  }
0x7e: {  	_ =	shalt  }
0x7f: {  	_ =	shalt  }
0x80: {  	_ =	shalt  }
0x81: {  	_ =	shalt  }
0x82: {  	_ =	shalt  }
0x83: {  	_ =	shalt  }
0x84: {  	_ =	shalt  }
0x85: {  	_ =	shalt  }
0x86: {  	_ =	shalt  }
0x87: {  	_ =	shalt  }
.Lfunc_end0:
.L_simem_size_0:
called_computation_lowered:
.L_overlay_start_0:
0x88: {  	s2 =	sld [smem:$0x3FD9]  }
0x89: {  	s3 =	sld [smem:$0x3FFE];
	_ =	sdelay $0x1  }
0x8a: {  	s1 =	srdreg.scid  }
0x8b: {  	s0 =	sand.u32 $0x1, s1  }
0x8c: {  	s17 =	sshll.u32 s0, $0xA;
	s2 =	sadd.s32 s3, s2  }
0x8d: {  	s2 =	sadd.s32 s2, s17  }
0x8e: {  	[smem:$0x3FBA] =	sst s2  }
0x8f: {  	_ = 	snop  }
0x90: {  	s2 =	sld [smem:$0x3FC7]  }
0x91: {  	s18 =	sld [smem:$0x3FD0];
	(tm) =	ssettm $0x1  }
0x92: {  	s4 =	sld [smem:$0x3FFB];
	_ =	sdelay $0x3  }
0x93: {  	_ =	strace s4  }
0x94: {  	s4 =	sld [smem:$0x3FFC];
	_ =	sdelay $0x3  }
0x95: {  	_ =	strace s4  }
0x96: {  	s4 =	sld [smem:$0x3FFD];
	_ =	sdelay $0x3  }
0x97: {  	_ =	strace s4  }
0x98: {  	_ =	strace $0x8FFFFFFF  }
0x99: {  	s19 =	sld [smem:$0x3FDB];
	_ =	sdelay $0x1  }
0x9a: {  	s5 =	simm.s32 $_scs_section_size  }
0x9b: {  	s6 =	simm.s32 $_size__tile_overlayer_lowered;
	s7 =	simm.s32 $_tile_overlayer_lowered  }
0x9c: {  	s22 =	simm.s32 $0x1BFF;
	s21 =	sshll.u32 s7, $0x1;
	s4 =	sadd.s32 s5, s19  }
0x9d: {  	s8 =	simm.s32 $0x0;
	s20 =	sshll.u32 s6, $0x1;
	s6 =	sadd.s32 s21, s4  }
0x9e: {  	[timem:s8], [sflag:s22] =	dma.local [hbm:s6], s20  }
0x9f: {  	_ =	swait.ge [sflag:s22], s20  }
0xa0: {  	s5 =	ssub.s32 $0x0, s20;
	[sflag:s22] =	ssyncset.done $0x0  }
0xa1: {  	[sflag:s22] =	ssyncadd.s32 s5;
	_ =	sdelay $0x1  }
0xa2: {  	s23 =	simm.s32 $0x1B8B  }
0xa3: {  	_ =	swait.ge [sflag:s23], $0x1  }
0xa4: {  	[sflag:s23] =	ssyncset.done $0x0  }
0xa5: {  	s25 =	simm.s32 $0x1B8E;
	s24 =	sld [smem:$0x3FFE];
	[sflag:s23] =	ssyncadd.s32 $0xFFFFFFFF  }
0xa6: {  	s26 =	simm.s32 $execute0_lowered;
	[smem:$0x3FD2] =	sst s25  }
0xa7: {  	s6 =	sshll.u32 s26, $0x1;
	_ =	strace $0x80000046;
	[dreg:$0x1] =	wrdreg $0xFFFFFFFF  }
0xa8: {  	s28 =	simm.s32 $_size_execute0_lowered;
	s4 =	sadd.s32 s4, s6;
	[dreg:$0x0] =	wrdreg $0x0  }
0xa9: {  	s6 =	sshll.u32 s28, $0x1;
	[dreg:$0x2] =	wrdreg s4  }
0xaa: {  	[dreg:$0x3] =	wrdreg s6  }
0xab: {  	[dreg:$0x4] =	wrdreg $0xC0  }
0xac: {  	_ =	task [dreg:s8], $0x5FFFF  }
0xad: {  	[dreg:$0x1] =	wrdreg $0xFFFFFFFF  }
0xae: {  	[dreg:$0x0] =	wrdreg $0x60  }
0xaf: {  	[dreg:$0x2] =	wrdreg s18  }
0xb0: {  	[dreg:$0x3] =	wrdreg s2  }
0xb1: {  	[dreg:$0x4] =	wrdreg s24  }
0xb2: {  	[dreg:$0x5] =	wrdreg $0x9  }
0xb3: {  	_ =	task.clear_ibuf [dreg:s8], $0x6FFFF;
	_ =	strace $0x90000046  }
0xb4: {  	s29 =	simm.s32 $0x9;
	_ =	strace $0x80000048  }
0xb5: {  	_ =	swait.ge [sflag:s29], $0x1  }
0xb6: {  	[sflag:s29] =	ssyncadd.s32 $0xFFFFFFFF  }
0xb7: {  	_ =	strace $0x90000048  }
0xb8: {  	_ =	sfence  }
0xb9: {  	s30 =	sld [smem:$0x0];
	_ =	sdelay $0x2  }
0xba: {  	s31 =	sshll.u32 s1, $0xD;
	s1 =	sshrl.u32 s1, $0x2  }
0xbb: {  	s3 =	sand.u32 $0x4000, s31;
	s1 =	sadd.s32 s1, s30  }
0xbc: {  	s0 =	sor.u32 s3, s0;
	s1 =	sshll.u32 s1, $0x11  }
0xbd: {  	s0 =	sor.u32 s1, s0  }
0xbe: {  	s0 =	sadd.s32 $0x8F2B, s0  }
0xbf: {  	[sflag:s0] =	ssyncadd.remote.s32 $0x1  }
0xc0: {  	_ =	sfence.sel $0xFFFF  }
0xc1: {  	[dreg:$0x0] =	wrdreg $0xFFFFFFFF;
	(pc) =	sbr.abs _section_cstart, $3  }
0xc2: {  	[dreg:$0x1] =	wrdreg $0xFFFFFFFF  }
0xc3: {  	_ =	task.clear_ibuf [dreg:s8], $0x2FFFF;
	_ =	strace $0x9FFFFFFF  }
0xc4: {  	(tm) =	ssettm $0x7FFFFFFF  }
0xc5: {  	_ =	shalt  }
tec
execute0_lowered:
.L_overlay_start_1:
0x0: {  	(tag) =	ssettag $0x1  }
0x1: {  	s4 =	rddreg [dreg:$0x0]  }
0x2: {  	s1 =	srdreg.scid;
	s0 =	stileid.u32  }
0x3: {  	s2 =	rddreg [dreg:$0x1];
	s12 =	sand.u32 $0x1, s1;
	s28 =	sshll.u32 s0, $0x1  }
0x4: {  	s10 =	rddreg [dreg:$0x2];
	s11 =	sor.u32 s12, s28  }
0x5: {  	s3 =	simm.s32 $0x0;
	s1 =	rddreg [dreg:$0x3];
	s5 =	smul.u32 $0x64, s11  }
0x6: {  	[smem:$0x7FF] =	sst s3  }
0x7: {  	_ =	strace $0x80000047;
	s4 =	sadd.s32 s4, s5;
	s5 =	simm.s32 $0x5  }
0x8: {  	[tilespmem:s3], [sflag:$0x5] =	stream.linear.gather [hbm4b:s4+s3], $0x320, $0x38;
	[tilespmem:$0x19380] =	vst v63  }
0x9: {  	_ =	swait.ge [sflag:s5], $0x320  }
0xa: {  	s6 =	simm.s32 $0x190;
	[sflag:s5] =	ssyncset.done $0x0  }
0xb: {  	s7 =	simm.s32 $0x380;
	s8 =	simm.s32 $0xCB80;
	[sflag:s5] =	ssyncadd.s32 $0xFFFFFCE0  }
0xc: {  	[tilespmem:s7], [sflag:$0x1] =	stream.indirect.gather [hbm4b:s2+s6], $0x80, s3, s6, $0xb8;
	[tilespmem:$0x19380] =	vst v63  }
0xd: {  	s9 =	simm.s32 $0x1;
	s14 =	sadd.s32 $0x2000, s10;
	s13 =	smul.u32 $0x3200, s11  }
0xe: {  	[tilespmem:s8], [sflag:$0x2] =	stream.indirect.gather [hbm4b:s2+s6], $0x80, s6, s6, $0xb8;
	[tilespmem:$0x19380] =	vst v63  }
0xf: {  	s15 =	ssub.s32 $0x2, s12;
	s29 =	smul.u32 $0x19000, s11;
	_ =	swait.ge [sflag:s9], $0xC800  }
0x10: {  	s11 =	simm.s32 $0x2;
	s31 =	sshrl.u32 s15, $0x1;
	[sflag:s9] =	ssyncset.done $0x0  }
0x11: {  	s10 =	sadd.s32 s14, s13;
	s13 =	sshrl.u32 s29, $0x3;
	[sflag:s9] =	ssyncadd.s32 $0xFFFF3800  }
0x12: {  	[hbm4b:s10+s3] =	stream.linear.scatter [tilespmem:s7], [sflag:$0x3], $0xC800, $0x38;
	[tilespmem:$0x19380] =	vst v63  }
0x13: {  	s30 =	sadd.s32 s14, s13;
	s14 =	ssub.s32 s15, s31;
	_ =	swait.ge [sflag:s11], $0xC800  }
0x14: {  	s13 =	simm.s32 $0x3;
	s15 =	smax.u32 s14, $0x1;
	[sflag:s11] =	ssyncset.done $0x0  }
0x15: {  	s12 =	sadd.s32 $0x1900, s30;
	p0 =	sne.s32 s15, $0x1;
	[sflag:s11] =	ssyncadd.s32 $0xFFFF3800  }
0x16: {  	[hbm4b:s12+s3] =	stream.linear.scatter [tilespmem:s8], [sflag:$0x4], $0xC800, $0x38;
	[tilespmem:$0x19380] =	vst v63  }
.Ltmp0:
0x17: {  	_ =	swait.ge [sflag:s13], $0xC800;
	(pc) =	sbr.rel @!p0 .LBB2_2-.Ltmp0, $4  }
0x18: {  	[sflag:s13] =	ssyncset.done $0x0  }
0x19: {  	s14 =	simm.s32 $0x4;
	[sflag:s13] =	ssyncadd.s32 $0xFFFF3800  }
0x1a: {  	_ =	swait.ge [sflag:s14], $0xC800  }
0x1b: {  	s15 =	sadd.s32 $0xFFFFFFFF, s15;
	[sflag:s14] =	ssyncset.done $0x0  }
.LBB2_1:
0x1c: {  	p0 =	sne.s32 s15, $0x1;
	s15 =	sadd.s32 $0xFFFFFFFF, s15;
	[sflag:s14] =	ssyncadd.s32 $0xFFFF3800  }
0x1d: {  	[tilespmem:s3], [sflag:$0x5] =	stream.linear.gather [hbm4b:s4+s3], $0x320, $0x38;
	[tilespmem:$0x19380] =	vst v63  }
0x1e: {  	_ =	swait.ge [sflag:s5], $0x320  }
0x1f: {  	[sflag:s5] =	ssyncset.done $0x0  }
0x20: {  	[sflag:s5] =	ssyncadd.s32 $0xFFFFFCE0  }
0x21: {  	[tilespmem:s7], [sflag:$0x1] =	stream.indirect.gather [hbm4b:s2+s6], $0x80, s3, s6, $0xb8;
	[tilespmem:$0x19380] =	vst v63  }
0x22: {  	_ = 	snop  }
0x23: {  	[tilespmem:s8], [sflag:$0x2] =	stream.indirect.gather [hbm4b:s2+s6], $0x80, s6, s6, $0xb8;
	[tilespmem:$0x19380] =	vst v63  }
0x24: {  	_ =	swait.ge [sflag:s9], $0xC800  }
0x25: {  	[sflag:s9] =	ssyncset.done $0x0  }
0x26: {  	[sflag:s9] =	ssyncadd.s32 $0xFFFF3800  }
0x27: {  	[hbm4b:s10+s3] =	stream.linear.scatter [tilespmem:s7], [sflag:$0x3], $0xC800, $0x38;
	[tilespmem:$0x19380] =	vst v63  }
0x28: {  	_ =	swait.ge [sflag:s11], $0xC800  }
0x29: {  	[sflag:s11] =	ssyncset.done $0x0  }
0x2a: {  	[sflag:s11] =	ssyncadd.s32 $0xFFFF3800  }
0x2b: {  	[hbm4b:s12+s3] =	stream.linear.scatter [tilespmem:s8], [sflag:$0x4], $0xC800, $0x38;
	[tilespmem:$0x19380] =	vst v63  }
.Ltmp1:
0x2c: {  	_ =	swait.ge [sflag:s13], $0xC800;
	(pc) =	sbr.rel @p0 .LBB2_1-.Ltmp1, $4  }
0x2d: {  	[sflag:s13] =	ssyncset.done $0x0  }
0x2e: {  	[sflag:s13] =	ssyncadd.s32 $0xFFFF3800  }
0x2f: {  	_ =	swait.ge [sflag:s14], $0xC800  }
0x30: {  	[sflag:s14] =	ssyncset.done $0x0  }
.LBB2_2:
0x31: {  	[sflag:s14] =	ssyncadd.s32 $0xFFFF3800  }
0x32: {  	_ =	sfence.sel $0x180000  }
0x33: {  	[bflag:$0x0] =	sbarrier.arrive $0xFFFF  }
0x34: {  	p0 =	sne.s32 s0, $0x0;
	_ =	strace $0x90000047  }
0x35: {  	s0 =	sadd.s32 @!p0 $0x100000, s1;
	[bflag:$0x2] =	sbarrier.arrive $0xFFFF  }
0x36: {  	[sflag:s0] =	ssyncadd.tile.s32 @!p0 $0x1;
	_ =	shalt  }
.Lfunc_end2:
_tile_overlayer_lowered:
.L_overlay_start_2:
0x37: {  	(tag) =	ssettag $0x2  }
0x38: {  	s0 =	rddreg [dreg:$0x0];
	s2 =	stileid.u32  }
0x39: {  	s1 =	rddreg [dreg:$0x1];
	p0 =	sne.s32 s2, $0x0  }
0x3a: {  	s3 =	rddreg [dreg:$0x2];
	[bflag:$0x3] =	sbarrier.arrive $0xFFFF;
	s2 =	simm.s32 @!p0 $0x1C05  }
0x3b: {  	[timem:s3], [sflag:s2] =	dma.local @!p0 [hbm:s0], s1  }
0x3c: {  	s0 =	simm.s32 @!p0 $0x5  }
0x3d: {  	_ =	swait.ge @!p0 [sflag:s0], s1  }
0x3e: {  	s1 =	ssub.s32 @!p0 $0x0, s1;
	[sflag:s0] =	ssyncset.done @!p0 $0x0  }
0x3f: {  	[sflag:s0] =	ssyncadd.s32 @!p0 s1  }
0x40: {  	[bflag:$0x3] =	sbarrier.arrive $0xFFFF  }
0x41: {  	_ =	shalt  }

</sc_bundles>
